<compile_context>
chip_gen: v7x
topology: tpu7x:2x2x1
jax: 0.10.2.dev20260603
libtpu: 0.0.44.dev20260713+nightly
codegen_flags: <defaults>
</compile_context>

<pallas_src>
import functools

import jax
import jax.numpy as jnp
from jax import lax
from jax.experimental import pallas as pl
from jax.experimental.pallas import tpu as pltpu
from jax.experimental.pallas import tpu_sc as plsc

N_NODES = 10000
N_EDGES = 160000
IN_DIM = 256
OUT_DIM = 256

NC = 2
NS = 16
HALF = IN_DIM // 2
E_PER_TILE = N_EDGES // NS
CH = 80
NCHUNK = E_PER_TILE // CH
NPAD = 10112
ROWS_PER_TILE = NPAD // NS


def _sc_segment_sum(xs, gidx, dstc, zeros):
  mesh = plsc.VectorSubcoreMesh(core_axis_name="c", subcore_axis_name="s")

  @functools.partial(
      pl.kernel,
      out_type=(
          jax.ShapeDtypeStruct((NPAD, HALF), jnp.float32),
          jax.ShapeDtypeStruct((NPAD, HALF), jnp.float32),
      ),
      mesh=mesh,
      scratch_types=[
          pltpu.VMEM_SHARED((NPAD, HALF), jnp.float32),
          pltpu.VMEM((E_PER_TILE,), jnp.int32),
          pltpu.VMEM((NCHUNK, CH), jnp.int32),
          pltpu.VMEM((CH, HALF), jnp.float32),
          pltpu.VMEM((CH, HALF), jnp.float32),
          pltpu.SemaphoreType.DMA,
          pltpu.SemaphoreType.DMA,
      ],
  )
  def k(xs_hbm, gidx_hbm, dstc_hbm, zeros_hbm, agg0_hbm, agg1_hbm,
        aggs, idxv, dstv, rows0, rows1, sem0, sem1):
    c = lax.axis_index("c")
    s = lax.axis_index("s")
    base = s * ROWS_PER_TILE

    pltpu.sync_copy(zeros_hbm, aggs.at[pl.ds(base, ROWS_PER_TILE)])
    pltpu.sync_copy(gidx_hbm.at[c, s], idxv)
    pltpu.sync_copy(dstc_hbm.at[s], dstv)
    plsc.subcore_barrier()

    def gather(i, buf, sem):
      pltpu.async_copy(xs_hbm.at[idxv.at[pl.ds(i * CH, CH)]], buf, sem)

    def wait_scatter(i, buf, sem):
      pltpu.make_async_copy(xs_hbm.at[idxv.at[pl.ds(i * CH, CH)]], buf,
                            sem).wait()
      pltpu.sync_copy(buf, aggs.at[dstv.at[i]], add=True)

    gather(0, rows0, sem0)

    def pair(g, carry):
      i = 2 * g + 1
      gather(i, rows1, sem1)
      wait_scatter(i - 1, rows0, sem0)
      gather(i + 1, rows0, sem0)
      wait_scatter(i, rows1, sem1)
      return carry

    lax.fori_loop(0, (NCHUNK - 1) // 2, pair, 0)
    wait_scatter(NCHUNK - 1, rows0, sem0)
    plsc.subcore_barrier()

    @pl.when(c == 0)
    def _():
      pltpu.sync_copy(aggs.at[pl.ds(base, ROWS_PER_TILE)],
                      agg0_hbm.at[pl.ds(base, ROWS_PER_TILE)])

    @pl.when(c == 1)
    def _():
      pltpu.sync_copy(aggs.at[pl.ds(base, ROWS_PER_TILE)],
                      agg1_hbm.at[pl.ds(base, ROWS_PER_TILE)])

  return k(xs, gidx, dstc, zeros)


def _xw_body(xr, wr, b, o):
  o[...] = jnp.dot(xr[...], wr[...], preferred_element_type=jnp.float32) + b[...]


def _tc_xwroot(x, W_root, b_rel):
  BM = 1000
  return pl.pallas_call(
      _xw_body,
      grid=(N_NODES // BM,),
      in_specs=[
          pl.BlockSpec((BM, IN_DIM), lambda i: (i, 0)),
          pl.BlockSpec((IN_DIM, OUT_DIM), lambda i: (0, 0)),
          pl.BlockSpec((1, OUT_DIM), lambda i: (0, 0)),
      ],
      out_specs=pl.BlockSpec((BM, OUT_DIM), lambda i: (i, 0)),
      out_shape=jax.ShapeDtypeStruct((N_NODES, OUT_DIM), jnp.float32),
  )(x, W_root, b_rel.reshape(1, -1))


def _mm_body(a0, a1, xw, w0, w1, o):
  acc = jnp.dot(a0[...], w0[...], preferred_element_type=jnp.float32)
  acc += jnp.dot(a1[...], w1[...], preferred_element_type=jnp.float32)
  o[...] = acc + xw[...]


def _tc_linear(agg0, agg1, xw, W_rel):
  BM = 1000
  return pl.pallas_call(
      _mm_body,
      grid=(N_NODES // BM,),
      in_specs=[
          pl.BlockSpec((BM, HALF), lambda i: (i, 0)),
          pl.BlockSpec((BM, HALF), lambda i: (i, 0)),
          pl.BlockSpec((BM, OUT_DIM), lambda i: (i, 0)),
          pl.BlockSpec((HALF, OUT_DIM), lambda i: (0, 0)),
          pl.BlockSpec((HALF, OUT_DIM), lambda i: (0, 0)),
      ],
      out_specs=pl.BlockSpec((BM, OUT_DIM), lambda i: (i, 0)),
      out_shape=jax.ShapeDtypeStruct((N_NODES, OUT_DIM), jnp.float32),
  )(agg0, agg1, xw, W_rel[:HALF], W_rel[HALF:])


@jax.jit
def kernel(x, edge_index, W_rel, b_rel, W_root):
  src = edge_index[0].astype(jnp.int32)
  dst = edge_index[1].astype(jnp.int32)

  xs = jnp.concatenate([x[:, :HALF], x[:, HALF:]], axis=0)
  gidx = jnp.stack([src, src + N_NODES]).reshape(NC, NS, E_PER_TILE)
  dstc = dst.reshape(NS, NCHUNK, CH)
  zeros = jnp.zeros((ROWS_PER_TILE, HALF), jnp.float32)

  xw = _tc_xwroot(x, W_root, b_rel)
  agg0, agg1 = _sc_segment_sum(xs, gidx, dstc, zeros)
  return _tc_linear(agg0, agg1, xw, W_rel)

# --- scband reference (transcript-rebuilt; emitter-appended) ---
"""Pipeline reference for scband-graph-conv-layer-54056458388017 (READ-ONLY COPY).

The authoritative reference and input builder live on the scoring server;
editing this copy changes nothing except your own understanding.
"""

import jax, jax.numpy as jnp
import numpy as np

N_NODES = 10000
N_EDGES = 160000
IN_DIM = 256
OUT_DIM = 256

def setup_inputs(seed: int = 0) -> dict:
    key = jax.random.key(seed)
    k1, k2, k3, k4, k5 = jax.random.split(key, 5)
    x = jax.random.normal(k1, (N_NODES, IN_DIM), dtype=jnp.float32)
    edge_index = jax.random.randint(k2, (2, N_EDGES), 0, N_NODES, dtype=jnp.int64)
    # PyG GraphConv params: lin_rel (weight+bias) applied to aggregated neighbors,
    # lin_root (weight, no bias) applied to root nodes.
    scale = 1.0 / np.sqrt(IN_DIM)
    W_rel = jax.random.uniform(k3, (IN_DIM, OUT_DIM), dtype=jnp.float32, minval=-scale, maxval=scale)
    b_rel = jax.random.uniform(k4, (OUT_DIM,), dtype=jnp.float32, minval=-scale, maxval=scale)
    W_root = jax.random.uniform(k5, (IN_DIM, OUT_DIM), dtype=jnp.float32, minval=-scale, maxval=scale)
    return {"x": x, "edge_index": edge_index, "W_rel": W_rel, "b_rel": b_rel, "W_root": W_root}

def reference(x, edge_index, W_rel, b_rel, W_root):
    # GraphConv (aggr='add'): out_i = W_root^T x_i + W_rel^T (sum_{j in N(i)} x_j) + b_rel
    src = edge_index[0]
    dst = edge_index[1]
    messages = jnp.take(x, src, axis=0)                      # gather [E, in]
    agg = jax.ops.segment_sum(messages, dst, num_segments=N_NODES)  # scatter-add [N, in]
    out = agg @ W_rel + b_rel + x @ W_root
    return out

if __name__ == "__main__":
    import jax
    _d = setup_inputs()
    print(jax.jit(kernel)(*tuple(_d.values())))

</pallas_src>

<mosaic_0001>
#map = affine_map<(d0, d1) -> (0, 0)>
#map1 = affine_map<(d0, d1) -> (0, 0, 0)>
module attributes {stable_mosaic.version = 14 : i64} {
  func.func @k(%arg0: i32, %arg1: i32, %arg2: memref<20000x128xf32, #tpu.memory_space<hbm>>, %arg3: memref<2x16x10000xi32, #tpu.memory_space<hbm>>, %arg4: memref<16x125x80xi32, #tpu.memory_space<hbm>>, %arg5: memref<632x128xf32, #tpu.memory_space<hbm>>, %arg6: memref<10112x128xf32, #tpu.memory_space<hbm>>, %arg7: memref<10112x128xf32, #tpu.memory_space<hbm>>, %arg8: memref<10112x128xf32, #tpu.memory_space<vmem_shared>>, %arg9: memref<10000xi32, #tpu.memory_space<vmem>>, %arg10: memref<125x80xi32, #tpu.memory_space<vmem>>, %arg11: memref<80x128xf32, #tpu.memory_space<vmem>>, %arg12: memref<80x128xf32, #tpu.memory_space<vmem>>, %arg13: memref<!tpu.dma_semaphore, #tpu.memory_space<semaphore_mem>>, %arg14: memref<!tpu.dma_semaphore, #tpu.memory_space<semaphore_mem>>) attributes {dimension_semantics = [#tpu.dimension_semantics<core_parallel>, #tpu.dimension_semantics<subcore_parallel>], iteration_bounds = array<i64: 2, 16>, scalar_prefetch = 0 : i64, scratch_operands = 7 : i64, tpu.core_type = #tpu.core_type<sc_vector_subcore>, window_params = [{transform_indices = #map}, {transform_indices = #map1}, {transform_indices = #map1}, {transform_indices = #map}, {transform_indices = #map}, {transform_indices = #map}]} {
    %mul3A = arith.constant 632 : i32
    %mul3A_0 = arith.muli %arg1, %mul3A : i32
    "tpu.region"() ({
      %run_scoped3A_22 = tpu.sem_alloc : memref<!tpu.dma_semaphore, #tpu.memory_space<semaphore_mem>>
      %dma_start3A_23 = arith.constant 0 : i32
      %dma_start3A_24 = tpu.memref_slice %arg8[%mul3A_0, %dma_start3A_23] : memref<10112x128xf32, #tpu.memory_space<vmem_shared>> -> memref<632x128xf32, #tpu.memory_space<vmem_shared>>
      tpu.enqueue_dma source(%arg5 : memref<632x128xf32, #tpu.memory_space<hbm>>) target(%dma_start3A_24 : memref<632x128xf32, #tpu.memory_space<vmem_shared>>) target_semaphore(%run_scoped3A_22 : memref<!tpu.dma_semaphore, #tpu.memory_space<semaphore_mem>>)
      %dma_wait3A_25 = arith.constant 0 : i32
      %dma_wait3A_26 = tpu.memref_slice %arg8[%mul3A_0, %dma_wait3A_25] : memref<10112x128xf32, #tpu.memory_space<vmem_shared>> -> memref<632x128xf32, #tpu.memory_space<vmem_shared>>
      tpu.wait_dma2 semaphore(%run_scoped3A_22 : memref<!tpu.dma_semaphore, #tpu.memory_space<semaphore_mem>>) src(%arg5 : memref<632x128xf32, #tpu.memory_space<hbm>>) dst(%dma_wait3A_26 : memref<632x128xf32, #tpu.memory_space<vmem_shared>>)
      tpu.yield
    }) : () -> ()
    "tpu.region"() ({
      %run_scoped3A_22 = tpu.sem_alloc : memref<!tpu.dma_semaphore, #tpu.memory_space<semaphore_mem>>
      %dma_start3A_23 = arith.constant 0 : i32
      %dma_start3A_24 = tpu.memref_slice %arg3[%arg0, %arg1, %dma_start3A_23] : memref<2x16x10000xi32, #tpu.memory_space<hbm>> -> memref<1x1x10000xi32, #tpu.memory_space<hbm>>
      %dma_start3A_25 = tpu.memref_squeeze %dma_start3A_24 : memref<1x1x10000xi32, #tpu.memory_space<hbm>> -> memref<10000xi32, #tpu.memory_space<hbm>>
      %dma_start3A_26 = arith.constant 0 : i32
      %dma_start3A_27 = tpu.memref_slice %arg3[%arg0, %arg1, %dma_start3A_26] : memref<2x16x10000xi32, #tpu.memory_space<hbm>> -> memref<1x1x10000xi32, #tpu.memory_space<hbm>>
      %dma_start3A_28 = tpu.memref_squeeze %dma_start3A_27 : memref<1x1x10000xi32, #tpu.memory_space<hbm>> -> memref<10000xi32, #tpu.memory_space<hbm>>
      tpu.enqueue_dma source(%dma_start3A_28 : memref<10000xi32, #tpu.memory_space<hbm>>) target(%arg9 : memref<10000xi32, #tpu.memory_space<vmem>>) target_semaphore(%run_scoped3A_22 : memref<!tpu.dma_semaphore, #tpu.memory_space<semaphore_mem>>)
      %dma_wait3A_29 = arith.constant 0 : i32
      %dma_wait3A_30 = tpu.memref_slice %arg3[%arg0, %arg1, %dma_wait3A_29] : memref<2x16x10000xi32, #tpu.memory_space<hbm>> -> memref<1x1x10000xi32, #tpu.memory_space<hbm>>
      %dma_wait3A_31 = tpu.memref_squeeze %dma_wait3A_30 : memref<1x1x10000xi32, #tpu.memory_space<hbm>> -> memref<10000xi32, #tpu.memory_space<hbm>>
      %dma_wait3A_32 = arith.constant 0 : i32
      %dma_wait3A_33 = tpu.memref_slice %arg3[%arg0, %arg1, %dma_wait3A_32] : memref<2x16x10000xi32, #tpu.memory_space<hbm>> -> memref<1x1x10000xi32, #tpu.memory_space<hbm>>
      %dma_wait3A_34 = tpu.memref_squeeze %dma_wait3A_33 : memref<1x1x10000xi32, #tpu.memory_space<hbm>> -> memref<10000xi32, #tpu.memory_space<hbm>>
      tpu.wait_dma2 semaphore(%run_scoped3A_22 : memref<!tpu.dma_semaphore, #tpu.memory_space<semaphore_mem>>) src(%dma_wait3A_34 : memref<10000xi32, #tpu.memory_space<hbm>>) dst(%arg9 : memref<10000xi32, #tpu.memory_space<vmem>>)
      tpu.yield
    }) : () -> ()
    "tpu.region"() ({
      %run_scoped3A_22 = tpu.sem_alloc : memref<!tpu.dma_semaphore, #tpu.memory_space<semaphore_mem>>
      %dma_start3A_23 = arith.constant 0 : i32
      %dma_start3A_24 = arith.constant 0 : i32
      %dma_start3A_25 = tpu.memref_slice %arg4[%arg1, %dma_start3A_23, %dma_start3A_24] : memref<16x125x80xi32, #tpu.memory_space<hbm>> -> memref<1x125x80xi32, #tpu.memory_space<hbm>>
      %dma_start3A_26 = tpu.memref_squeeze %dma_start3A_25 : memref<1x125x80xi32, #tpu.memory_space<hbm>> -> memref<125x80xi32, #tpu.memory_space<hbm>>
      %dma_start3A_27 = arith.constant 0 : i32
      %dma_start3A_28 = arith.constant 0 : i32
      %dma_start3A_29 = tpu.memref_slice %arg4[%arg1, %dma_start3A_27, %dma_start3A_28] : memref<16x125x80xi32, #tpu.memory_space<hbm>> -> memref<1x125x80xi32, #tpu.memory_space<hbm>>
      %dma_start3A_30 = tpu.memref_squeeze %dma_start3A_29 : memref<1x125x80xi32, #tpu.memory_space<hbm>> -> memref<125x80xi32, #tpu.memory_space<hbm>>
      tpu.enqueue_dma source(%dma_start3A_30 : memref<125x80xi32, #tpu.memory_space<hbm>>) target(%arg10 : memref<125x80xi32, #tpu.memory_space<vmem>>) target_semaphore(%run_scoped3A_22 : memref<!tpu.dma_semaphore, #tpu.memory_space<semaphore_mem>>)
      %dma_wait3A_31 = arith.constant 0 : i32
      %dma_wait3A_32 = arith.constant 0 : i32
      %dma_wait3A_33 = tpu.memref_slice %arg4[%arg1, %dma_wait3A_31, %dma_wait3A_32] : memref<16x125x80xi32, #tpu.memory_space<hbm>> -> memref<1x125x80xi32, #tpu.memory_space<hbm>>
      %dma_wait3A_34 = tpu.memref_squeeze %dma_wait3A_33 : memref<1x125x80xi32, #tpu.memory_space<hbm>> -> memref<125x80xi32, #tpu.memory_space<hbm>>
      %dma_wait3A_35 = arith.constant 0 : i32
      %dma_wait3A_36 = arith.constant 0 : i32
      %dma_wait3A_37 = tpu.memref_slice %arg4[%arg1, %dma_wait3A_35, %dma_wait3A_36] : memref<16x125x80xi32, #tpu.memory_space<hbm>> -> memref<1x125x80xi32, #tpu.memory_space<hbm>>
      %dma_wait3A_38 = tpu.memref_squeeze %dma_wait3A_37 : memref<1x125x80xi32, #tpu.memory_space<hbm>> -> memref<125x80xi32, #tpu.memory_space<hbm>>
      tpu.wait_dma2 semaphore(%run_scoped3A_22 : memref<!tpu.dma_semaphore, #tpu.memory_space<semaphore_mem>>) src(%dma_wait3A_38 : memref<125x80xi32, #tpu.memory_space<hbm>>) dst(%arg10 : memref<125x80xi32, #tpu.memory_space<vmem>>)
      tpu.yield
    }) : () -> ()
    %barrier3A = arith.constant 0 : index
    tpu.barrier barrier_id(%barrier3A)
    %dma_start3A = arith.constant 0 : i32
    %dma_start3A_1 = tpu.memref_slice %arg9[%dma_start3A] : memref<10000xi32, #tpu.memory_space<vmem>> -> memref<80xi32, #tpu.memory_space<vmem>>
    %dma_start3A_2 = arith.constant 0 : i32
    %dma_start3A_3 = arith.constant 0 : i32
    %dma_start3A_4 = tpu.memref_slice %arg2[%dma_start3A_2, %dma_start3A_3] : memref<20000x128xf32, #tpu.memory_space<hbm>> -> memref<20000x128xf32, #tpu.memory_space<hbm>>
    tpu.enqueue_indirect_dma source(%dma_start3A_4 : memref<20000x128xf32, #tpu.memory_space<hbm>>) target(%arg11 : memref<80x128xf32, #tpu.memory_space<vmem>>) offsets(%dma_start3A_1 : memref<80xi32, #tpu.memory_space<vmem>>) semaphore(%arg13 : memref<!tpu.dma_semaphore, #tpu.memory_space<semaphore_mem>>)
    %scan3A = arith.constant 0 : i32
    %scan3A_5 = arith.constant 0 : i32
    %scan3A_6 = arith.constant 62 : i32
    %scan3A_7 = arith.addi %scan3A_5, %scan3A_6 : i32
    %scan3A_8 = arith.constant 1 : i32
    scf.for %scan3A_22 = %scan3A_5 to %scan3A_7 step %scan3A_8  : i32 {
      %mul3A_23 = arith.constant 2 : i32
      %mul3A_24 = arith.muli %mul3A_23, %scan3A_22 : i32
      %add3A = arith.constant 1 : i32
      %add3A_25 = arith.addi %mul3A_24, %add3A : i32
      %mul3A_26 = arith.constant 80 : i32
      %mul3A_27 = arith.muli %add3A_25, %mul3A_26 : i32
      %dma_start3A_28 = tpu.memref_slice %arg9[%mul3A_27] : memref<10000xi32, #tpu.memory_space<vmem>> -> memref<80xi32, #tpu.memory_space<vmem>>
      %dma_start3A_29 = arith.constant 0 : i32
      %dma_start3A_30 = arith.constant 0 : i32
      %dma_start3A_31 = tpu.memref_slice %arg2[%dma_start3A_29, %dma_start3A_30] : memref<20000x128xf32, #tpu.memory_space<hbm>> -> memref<20000x128xf32, #tpu.memory_space<hbm>>
      tpu.enqueue_indirect_dma source(%dma_start3A_31 : memref<20000x128xf32, #tpu.memory_space<hbm>>) target(%arg12 : memref<80x128xf32, #tpu.memory_space<vmem>>) offsets(%dma_start3A_28 : memref<80xi32, #tpu.memory_space<vmem>>) semaphore(%arg14 : memref<!tpu.dma_semaphore, #tpu.memory_space<semaphore_mem>>)
      %sub3A = arith.constant 1 : i32
      %sub3A_32 = arith.subi %add3A_25, %sub3A : i32
      %mul3A_33 = arith.constant 80 : i32
      %mul3A_34 = arith.muli %sub3A_32, %mul3A_33 : i32
      %dma_wait3A_35 = tpu.memref_slice %arg9[%mul3A_34] : memref<10000xi32, #tpu.memory_space<vmem>> -> memref<80xi32, #tpu.memory_space<vmem>>
      %dma_wait3A_36 = arith.constant 0 : i32
      %dma_wait3A_37 = arith.constant 0 : i32
      %dma_wait3A_38 = tpu.memref_slice %arg2[%dma_wait3A_36, %dma_wait3A_37] : memref<20000x128xf32, #tpu.memory_space<hbm>> -> memref<20000x128xf32, #tpu.memory_space<hbm>>
      tpu.wait_indirect_dma semaphore(%arg13 : memref<!tpu.dma_semaphore, #tpu.memory_space<semaphore_mem>>) src(%dma_wait3A_38 : memref<20000x128xf32, #tpu.memory_space<hbm>>) dst(%arg11 : memref<80x128xf32, #tpu.memory_space<vmem>>)
      "tpu.region"() ({
        %run_scoped3A_53 = tpu.sem_alloc : memref<!tpu.dma_semaphore, #tpu.memory_space<semaphore_mem>>
        %dma_start3A_54 = arith.constant 0 : i32
        %dma_start3A_55 = tpu.memref_slice %arg10[%sub3A_32, %dma_start3A_54] : memref<125x80xi32, #tpu.memory_space<vmem>> -> memref<1x80xi32, #tpu.memory_space<vmem>>
        %dma_start3A_56 = tpu.memref_squeeze %dma_start3A_55 : memref<1x80xi32, #tpu.memory_space<vmem>> -> memref<80xi32, #tpu.memory_space<vmem>>
        %dma_start3A_57 = arith.constant 0 : i32
        %dma_start3A_58 = arith.constant 0 : i32
        %dma_start3A_59 = tpu.memref_slice %arg8[%dma_start3A_57, %dma_start3A_58] : memref<10112x128xf32, #tpu.memory_space<vmem_shared>> -> memref<10112x128xf32, #tpu.memory_space<vmem_shared>>
        tpu.enqueue_indirect_dma source(%arg11 : memref<80x128xf32, #tpu.memory_space<vmem>>) target(%dma_start3A_59 : memref<10112x128xf32, #tpu.memory_space<vmem_shared>>) offsets(%dma_start3A_56 : memref<80xi32, #tpu.memory_space<vmem>>) semaphore(%run_scoped3A_53 : memref<!tpu.dma_semaphore, #tpu.memory_space<semaphore_mem>>) {add = true}
        %dma_wait3A_60 = arith.constant 0 : i32
        %dma_wait3A_61 = tpu.memref_slice %arg10[%sub3A_32, %dma_wait3A_60] : memref<125x80xi32, #tpu.memory_space<vmem>> -> memref<1x80xi32, #tpu.memory_space<vmem>>
        %dma_wait3A_62 = tpu.memref_squeeze %dma_wait3A_61 : memref<1x80xi32, #tpu.memory_space<vmem>> -> memref<80xi32, #tpu.memory_space<vmem>>
        %dma_wait3A_63 = arith.constant 0 : i32
        %dma_wait3A_64 = arith.constant 0 : i32
        %dma_wait3A_65 = tpu.memref_slice %arg8[%dma_wait3A_63, %dma_wait3A_64] : memref<10112x128xf32, #tpu.memory_space<vmem_shared>> -> memref<10112x128xf32, #tpu.memory_space<vmem_shared>>
        tpu.wait_indirect_dma semaphore(%run_scoped3A_53 : memref<!tpu.dma_semaphore, #tpu.memory_space<semaphore_mem>>) src(%arg11 : memref<80x128xf32, #tpu.memory_space<vmem>>) dst(%dma_wait3A_65 : memref<10112x128xf32, #tpu.memory_space<vmem_shared>>)
        tpu.yield
      }) : () -> ()
      %add3A_39 = arith.constant 1 : i32
      %add3A_40 = arith.addi %add3A_25, %add3A_39 : i32
      %mul3A_41 = arith.constant 80 : i32
      %mul3A_42 = arith.muli %add3A_40, %mul3A_41 : i32
      %dma_start3A_43 = tpu.memref_slice %arg9[%mul3A_42] : memref<10000xi32, #tpu.memory_space<vmem>> -> memref<80xi32, #tpu.memory_space<vmem>>
      %dma_start3A_44 = arith.constant 0 : i32
      %dma_start3A_45 = arith.constant 0 : i32
      %dma_start3A_46 = tpu.memref_slice %arg2[%dma_start3A_44, %dma_start3A_45] : memref<20000x128xf32, #tpu.memory_space<hbm>> -> memref<20000x128xf32, #tpu.memory_space<hbm>>
      tpu.enqueue_indirect_dma source(%dma_start3A_46 : memref<20000x128xf32, #tpu.memory_space<hbm>>) target(%arg11 : memref<80x128xf32, #tpu.memory_space<vmem>>) offsets(%dma_start3A_43 : memref<80xi32, #tpu.memory_space<vmem>>) semaphore(%arg13 : memref<!tpu.dma_semaphore, #tpu.memory_space<semaphore_mem>>)
      %mul3A_47 = arith.constant 80 : i32
      %mul3A_48 = arith.muli %add3A_25, %mul3A_47 : i32
      %dma_wait3A_49 = tpu.memref_slice %arg9[%mul3A_48] : memref<10000xi32, #tpu.memory_space<vmem>> -> memref<80xi32, #tpu.memory_space<vmem>>
      %dma_wait3A_50 = arith.constant 0 : i32
      %dma_wait3A_51 = arith.constant 0 : i32
      %dma_wait3A_52 = tpu.memref_slice %arg2[%dma_wait3A_50, %dma_wait3A_51] : memref<20000x128xf32, #tpu.memory_space<hbm>> -> memref<20000x128xf32, #tpu.memory_space<hbm>>
      tpu.wait_indirect_dma semaphore(%arg14 : memref<!tpu.dma_semaphore, #tpu.memory_space<semaphore_mem>>) src(%dma_wait3A_52 : memref<20000x128xf32, #tpu.memory_space<hbm>>) dst(%arg12 : memref<80x128xf32, #tpu.memory_space<vmem>>)
      "tpu.region"() ({
        %run_scoped3A_53 = tpu.sem_alloc : memref<!tpu.dma_semaphore, #tpu.memory_space<semaphore_mem>>
        %dma_start3A_54 = arith.constant 0 : i32
        %dma_start3A_55 = tpu.memref_slice %arg10[%add3A_25, %dma_start3A_54] : memref<125x80xi32, #tpu.memory_space<vmem>> -> memref<1x80xi32, #tpu.memory_space<vmem>>
        %dma_start3A_56 = tpu.memref_squeeze %dma_start3A_55 : memref<1x80xi32, #tpu.memory_space<vmem>> -> memref<80xi32, #tpu.memory_space<vmem>>
        %dma_start3A_57 = arith.constant 0 : i32
        %dma_start3A_58 = arith.constant 0 : i32
        %dma_start3A_59 = tpu.memref_slice %arg8[%dma_start3A_57, %dma_start3A_58] : memref<10112x128xf32, #tpu.memory_space<vmem_shared>> -> memref<10112x128xf32, #tpu.memory_space<vmem_shared>>
        tpu.enqueue_indirect_dma source(%arg12 : memref<80x128xf32, #tpu.memory_space<vmem>>) target(%dma_start3A_59 : memref<10112x128xf32, #tpu.memory_space<vmem_shared>>) offsets(%dma_start3A_56 : memref<80xi32, #tpu.memory_space<vmem>>) semaphore(%run_scoped3A_53 : memref<!tpu.dma_semaphore, #tpu.memory_space<semaphore_mem>>) {add = true}
        %dma_wait3A_60 = arith.constant 0 : i32
        %dma_wait3A_61 = tpu.memref_slice %arg10[%add3A_25, %dma_wait3A_60] : memref<125x80xi32, #tpu.memory_space<vmem>> -> memref<1x80xi32, #tpu.memory_space<vmem>>
        %dma_wait3A_62 = tpu.memref_squeeze %dma_wait3A_61 : memref<1x80xi32, #tpu.memory_space<vmem>> -> memref<80xi32, #tpu.memory_space<vmem>>
        %dma_wait3A_63 = arith.constant 0 : i32
        %dma_wait3A_64 = arith.constant 0 : i32
        %dma_wait3A_65 = tpu.memref_slice %arg8[%dma_wait3A_63, %dma_wait3A_64] : memref<10112x128xf32, #tpu.memory_space<vmem_shared>> -> memref<10112x128xf32, #tpu.memory_space<vmem_shared>>
        tpu.wait_indirect_dma semaphore(%run_scoped3A_53 : memref<!tpu.dma_semaphore, #tpu.memory_space<semaphore_mem>>) src(%arg12 : memref<80x128xf32, #tpu.memory_space<vmem>>) dst(%dma_wait3A_65 : memref<10112x128xf32, #tpu.memory_space<vmem_shared>>)
        tpu.yield
      }) : () -> ()
    }
    %scan3A_9 = arith.constant 62 : i32
    %dma_wait3A = arith.constant 9920 : i32
    %dma_wait3A_10 = tpu.memref_slice %arg9[%dma_wait3A] : memref<10000xi32, #tpu.memory_space<vmem>> -> memref<80xi32, #tpu.memory_space<vmem>>
    %dma_wait3A_11 = arith.constant 0 : i32
    %dma_wait3A_12 = arith.constant 0 : i32
    %dma_wait3A_13 = tpu.memref_slice %arg2[%dma_wait3A_11, %dma_wait3A_12] : memref<20000x128xf32, #tpu.memory_space<hbm>> -> memref<20000x128xf32, #tpu.memory_space<hbm>>
    tpu.wait_indirect_dma semaphore(%arg13 : memref<!tpu.dma_semaphore, #tpu.memory_space<semaphore_mem>>) src(%dma_wait3A_13 : memref<20000x128xf32, #tpu.memory_space<hbm>>) dst(%arg11 : memref<80x128xf32, #tpu.memory_space<vmem>>)
    %run_scoped3A = arith.constant 124 : i32
    "tpu.region"() ({
      %run_scoped3A_22 = tpu.sem_alloc : memref<!tpu.dma_semaphore, #tpu.memory_space<semaphore_mem>>
      %dma_start3A_23 = arith.constant 0 : i32
      %dma_start3A_24 = tpu.memref_slice %arg10[%run_scoped3A, %dma_start3A_23] : memref<125x80xi32, #tpu.memory_space<vmem>> -> memref<1x80xi32, #tpu.memory_space<vmem>>
      %dma_start3A_25 = tpu.memref_squeeze %dma_start3A_24 : memref<1x80xi32, #tpu.memory_space<vmem>> -> memref<80xi32, #tpu.memory_space<vmem>>
      %dma_start3A_26 = arith.constant 0 : i32
      %dma_start3A_27 = arith.constant 0 : i32
      %dma_start3A_28 = tpu.memref_slice %arg8[%dma_start3A_26, %dma_start3A_27] : memref<10112x128xf32, #tpu.memory_space<vmem_shared>> -> memref<10112x128xf32, #tpu.memory_space<vmem_shared>>
      tpu.enqueue_indirect_dma source(%arg11 : memref<80x128xf32, #tpu.memory_space<vmem>>) target(%dma_start3A_28 : memref<10112x128xf32, #tpu.memory_space<vmem_shared>>) offsets(%dma_start3A_25 : memref<80xi32, #tpu.memory_space<vmem>>) semaphore(%run_scoped3A_22 : memref<!tpu.dma_semaphore, #tpu.memory_space<semaphore_mem>>) {add = true}
      %dma_wait3A_29 = arith.constant 0 : i32
      %dma_wait3A_30 = tpu.memref_slice %arg10[%run_scoped3A, %dma_wait3A_29] : memref<125x80xi32, #tpu.memory_space<vmem>> -> memref<1x80xi32, #tpu.memory_space<vmem>>
      %dma_wait3A_31 = tpu.memref_squeeze %dma_wait3A_30 : memref<1x80xi32, #tpu.memory_space<vmem>> -> memref<80xi32, #tpu.memory_space<vmem>>
      %dma_wait3A_32 = arith.constant 0 : i32
      %dma_wait3A_33 = arith.constant 0 : i32
      %dma_wait3A_34 = tpu.memref_slice %arg8[%dma_wait3A_32, %dma_wait3A_33] : memref<10112x128xf32, #tpu.memory_space<vmem_shared>> -> memref<10112x128xf32, #tpu.memory_space<vmem_shared>>
      tpu.wait_indirect_dma semaphore(%run_scoped3A_22 : memref<!tpu.dma_semaphore, #tpu.memory_space<semaphore_mem>>) src(%arg11 : memref<80x128xf32, #tpu.memory_space<vmem>>) dst(%dma_wait3A_34 : memref<10112x128xf32, #tpu.memory_space<vmem_shared>>)
      tpu.yield
    }) : () -> ()
    %barrier3A_14 = arith.constant 0 : index
    tpu.barrier barrier_id(%barrier3A_14)
    %eq3A = arith.constant 0 : i32
    %eq3A_15 = arith.cmpi eq, %arg0, %eq3A : i32
    %convert_element_type3A = arith.extui %eq3A_15 : i1 to i32
    %cond3A = arith.constant 0 : i32
    %cond3A_16 = arith.cmpi ne, %convert_element_type3A, %cond3A : i32
    scf.if %cond3A_16 {
      "tpu.region"() ({
        %run_scoped3A_22 = tpu.sem_alloc : memref<!tpu.dma_semaphore, #tpu.memory_space<semaphore_mem>>
        %dma_start3A_23 = arith.constant 0 : i32
        %dma_start3A_24 = tpu.memref_slice %arg6[%mul3A_0, %dma_start3A_23] : memref<10112x128xf32, #tpu.memory_space<hbm>> -> memref<632x128xf32, #tpu.memory_space<hbm>>
        %dma_start3A_25 = arith.constant 0 : i32
        %dma_start3A_26 = tpu.memref_slice %arg8[%mul3A_0, %dma_start3A_25] : memref<10112x128xf32, #tpu.memory_space<vmem_shared>> -> memref<632x128xf32, #tpu.memory_space<vmem_shared>>
        tpu.enqueue_dma source(%dma_start3A_26 : memref<632x128xf32, #tpu.memory_space<vmem_shared>>) target(%dma_start3A_24 : memref<632x128xf32, #tpu.memory_space<hbm>>) target_semaphore(%run_scoped3A_22 : memref<!tpu.dma_semaphore, #tpu.memory_space<semaphore_mem>>)
        %dma_wait3A_27 = arith.constant 0 : i32
        %dma_wait3A_28 = tpu.memref_slice %arg6[%mul3A_0, %dma_wait3A_27] : memref<10112x128xf32, #tpu.memory_space<hbm>> -> memref<632x128xf32, #tpu.memory_space<hbm>>
        %dma_wait3A_29 = arith.constant 0 : i32
        %dma_wait3A_30 = tpu.memref_slice %arg8[%mul3A_0, %dma_wait3A_29] : memref<10112x128xf32, #tpu.memory_space<vmem_shared>> -> memref<632x128xf32, #tpu.memory_space<vmem_shared>>
        tpu.wait_dma2 semaphore(%run_scoped3A_22 : memref<!tpu.dma_semaphore, #tpu.memory_space<semaphore_mem>>) src(%dma_wait3A_30 : memref<632x128xf32, #tpu.memory_space<vmem_shared>>) dst(%dma_wait3A_28 : memref<632x128xf32, #tpu.memory_space<hbm>>)
        tpu.yield
      }) : () -> ()
    } else {
    }
    %eq3A_17 = arith.constant 1 : i32
    %eq3A_18 = arith.cmpi eq, %arg0, %eq3A_17 : i32
    %convert_element_type3A_19 = arith.extui %eq3A_18 : i1 to i32
    %cond3A_20 = arith.constant 0 : i32
    %cond3A_21 = arith.cmpi ne, %convert_element_type3A_19, %cond3A_20 : i32
    scf.if %cond3A_21 {
      "tpu.region"() ({
        %run_scoped3A_22 = tpu.sem_alloc : memref<!tpu.dma_semaphore, #tpu.memory_space<semaphore_mem>>
        %dma_start3A_23 = arith.constant 0 : i32
        %dma_start3A_24 = tpu.memref_slice %arg7[%mul3A_0, %dma_start3A_23] : memref<10112x128xf32, #tpu.memory_space<hbm>> -> memref<632x128xf32, #tpu.memory_space<hbm>>
        %dma_start3A_25 = arith.constant 0 : i32
        %dma_start3A_26 = tpu.memref_slice %arg8[%mul3A_0, %dma_start3A_25] : memref<10112x128xf32, #tpu.memory_space<vmem_shared>> -> memref<632x128xf32, #tpu.memory_space<vmem_shared>>
        tpu.enqueue_dma source(%dma_start3A_26 : memref<632x128xf32, #tpu.memory_space<vmem_shared>>) target(%dma_start3A_24 : memref<632x128xf32, #tpu.memory_space<hbm>>) target_semaphore(%run_scoped3A_22 : memref<!tpu.dma_semaphore, #tpu.memory_space<semaphore_mem>>)
        %dma_wait3A_27 = arith.constant 0 : i32
        %dma_wait3A_28 = tpu.memref_slice %arg7[%mul3A_0, %dma_wait3A_27] : memref<10112x128xf32, #tpu.memory_space<hbm>> -> memref<632x128xf32, #tpu.memory_space<hbm>>
        %dma_wait3A_29 = arith.constant 0 : i32
        %dma_wait3A_30 = tpu.memref_slice %arg8[%mul3A_0, %dma_wait3A_29] : memref<10112x128xf32, #tpu.memory_space<vmem_shared>> -> memref<632x128xf32, #tpu.memory_space<vmem_shared>>
        tpu.wait_dma2 semaphore(%run_scoped3A_22 : memref<!tpu.dma_semaphore, #tpu.memory_space<semaphore_mem>>) src(%dma_wait3A_30 : memref<632x128xf32, #tpu.memory_space<vmem_shared>>) dst(%dma_wait3A_28 : memref<632x128xf32, #tpu.memory_space<hbm>>)
        tpu.yield
      }) : () -> ()
    } else {
    }
    return
  }
}

module attributes {stable_mosaic.version = 14 : i64} {
  func.func @_xw_body(%arg0: i32, %arg1: memref<1000x256xf32, #tpu.memory_space<vmem>>, %arg2: memref<256x256xf32, #tpu.memory_space<vmem>>, %arg3: memref<1x256xf32, #tpu.memory_space<vmem>>, %arg4: memref<1000x256xf32, #tpu.memory_space<vmem>>) attributes {dimension_semantics = [#tpu.dimension_semantics<arbitrary>], iteration_bounds = array<i64: 10>, scalar_prefetch = 0 : i64, scratch_operands = 0 : i64, tpu.core_type = #tpu.core_type<tc>, window_params = [{transform_indices = @transform_0, window_bounds = array<i64: 1000, 256>}, {pipeline_mode = #tpu.pipeline_mode<synchronous>, transform_indices = @transform_1, window_bounds = array<i64: 256, 256>}, {pipeline_mode = #tpu.pipeline_mode<synchronous>, transform_indices = @transform_2, window_bounds = array<i64: 1, 256>}, {transform_indices = @transform_3, window_bounds = array<i64: 1000, 256>}]} {
    %get3A = arith.constant 0 : index
    %get3A_0 = arith.constant 0 : index
    %get3A_1 = vector.load %arg1[%get3A, %get3A_0] : memref<1000x256xf32, #tpu.memory_space<vmem>>, vector<1000x256xf32>
    %get3A_2 = arith.constant 0 : index
    %get3A_3 = arith.constant 0 : index
    %get3A_4 = vector.load %arg2[%get3A_2, %get3A_3] : memref<256x256xf32, #tpu.memory_space<vmem>>, vector<256x256xf32>
    %dot_general3A = arith.constant dense<0.000000e+00> : vector<1000x256xf32>
    %dot_general3A_5 = tpu.matmul %get3A_1, %get3A_4, %dot_general3A {dimension_numbers = #tpu.dot_dimension_numbers<[1], [0], [0], [1], [0, 0, 1, 1], [], []>, transpose_lhs_hint = false} : vector<1000x256xf32>, vector<256x256xf32>, vector<1000x256xf32> -> vector<1000x256xf32>
    %get3A_6 = arith.constant 0 : index
    %get3A_7 = arith.constant 0 : index
    %get3A_8 = vector.load %arg3[%get3A_6, %get3A_7] : memref<1x256xf32, #tpu.memory_space<vmem>>, vector<1x256xf32>
    %add3A = vector.broadcast %get3A_8 : vector<1x256xf32> to vector<1000x256xf32>
    %add3A_9 = arith.addf %dot_general3A_5, %add3A : vector<1000x256xf32>
    %swap3A = arith.constant 0 : index
    %swap3A_10 = arith.constant 0 : index
    %swap3A_11 = vector.load %arg4[%swap3A, %swap3A_10] : memref<1000x256xf32, #tpu.memory_space<vmem>>, vector<1000x256xf32>
    tpu.vector_store %arg4[%swap3A, %swap3A_10], %add3A_9 {strides = array<i32>} : memref<1000x256xf32, #tpu.memory_space<vmem>>, vector<1000x256xf32>,
    return
  }
  func.func @transform_0(%arg0: i32) -> (i32, i32) {
    %c0_i32 = arith.constant 0 : i32
    %c0_i32_0 = arith.constant 0 : i32
    return %arg0, %c0_i32 : i32, i32
  }
  func.func @transform_1(%arg0: i32) -> (i32, i32) {
    %c0_i32 = arith.constant 0 : i32
    %c0_i32_0 = arith.constant 0 : i32
    %c0_i32_1 = arith.constant 0 : i32
    return %c0_i32, %c0_i32_0 : i32, i32
  }
  func.func @transform_2(%arg0: i32) -> (i32, i32) {
    %c0_i32 = arith.constant 0 : i32
    %c0_i32_0 = arith.constant 0 : i32
    %c0_i32_1 = arith.constant 0 : i32
    return %c0_i32, %c0_i32_0 : i32, i32
  }
  func.func @transform_3(%arg0: i32) -> (i32, i32) {
    %c0_i32 = arith.constant 0 : i32
    %c0_i32_0 = arith.constant 0 : i32
    return %arg0, %c0_i32 : i32, i32
  }
}

module attributes {stable_mosaic.version = 14 : i64} {
  func.func @_mm_body(%arg0: i32, %arg1: memref<1000x128xf32, #tpu.memory_space<vmem>>, %arg2: memref<1000x128xf32, #tpu.memory_space<vmem>>, %arg3: memref<1000x256xf32, #tpu.memory_space<vmem>>, %arg4: memref<128x256xf32, #tpu.memory_space<vmem>>, %arg5: memref<128x256xf32, #tpu.memory_space<vmem>>, %arg6: memref<1000x256xf32, #tpu.memory_space<vmem>>) attributes {dimension_semantics = [#tpu.dimension_semantics<arbitrary>], iteration_bounds = array<i64: 10>, scalar_prefetch = 0 : i64, scratch_operands = 0 : i64, tpu.core_type = #tpu.core_type<tc>, window_params = [{transform_indices = @transform_0, window_bounds = array<i64: 1000, 128>}, {transform_indices = @transform_1, window_bounds = array<i64: 1000, 128>}, {transform_indices = @transform_2, window_bounds = array<i64: 1000, 256>}, {pipeline_mode = #tpu.pipeline_mode<synchronous>, transform_indices = @transform_3, window_bounds = array<i64: 128, 256>}, {pipeline_mode = #tpu.pipeline_mode<synchronous>, transform_indices = @transform_4, window_bounds = array<i64: 128, 256>}, {transform_indices = @transform_5, window_bounds = array<i64: 1000, 256>}]} {
    %get3A = arith.constant 0 : index
    %get3A_0 = arith.constant 0 : index
    %get3A_1 = vector.load %arg1[%get3A, %get3A_0] : memref<1000x128xf32, #tpu.memory_space<vmem>>, vector<1000x128xf32>
    %get3A_2 = arith.constant 0 : index
    %get3A_3 = arith.constant 0 : index
    %get3A_4 = vector.load %arg4[%get3A_2, %get3A_3] : memref<128x256xf32, #tpu.memory_space<vmem>>, vector<128x256xf32>
    %dot_general3A = arith.constant dense<0.000000e+00> : vector<1000x256xf32>
    %dot_general3A_5 = tpu.matmul %get3A_1, %get3A_4, %dot_general3A {dimension_numbers = #tpu.dot_dimension_numbers<[1], [0], [0], [1], [0, 0, 1, 1], [], []>, transpose_lhs_hint = false} : vector<1000x128xf32>, vector<128x256xf32>, vector<1000x256xf32> -> vector<1000x256xf32>
    %get3A_6 = arith.constant 0 : index
    %get3A_7 = arith.constant 0 : index
    %get3A_8 = vector.load %arg2[%get3A_6, %get3A_7] : memref<1000x128xf32, #tpu.memory_space<vmem>>, vector<1000x128xf32>
    %get3A_9 = arith.constant 0 : index
    %get3A_10 = arith.constant 0 : index
    %get3A_11 = vector.load %arg5[%get3A_9, %get3A_10] : memref<128x256xf32, #tpu.memory_space<vmem>>, vector<128x256xf32>
    %dot_general3A_12 = arith.constant dense<0.000000e+00> : vector<1000x256xf32>
    %dot_general3A_13 = tpu.matmul %get3A_8, %get3A_11, %dot_general3A_12 {dimension_numbers = #tpu.dot_dimension_numbers<[1], [0], [0], [1], [0, 0, 1, 1], [], []>, transpose_lhs_hint = false} : vector<1000x128xf32>, vector<128x256xf32>, vector<1000x256xf32> -> vector<1000x256xf32>
    %add3A = arith.addf %dot_general3A_5, %dot_general3A_13 : vector<1000x256xf32>
    %get3A_14 = arith.constant 0 : index
    %get3A_15 = arith.constant 0 : index
    %get3A_16 = vector.load %arg3[%get3A_14, %get3A_15] : memref<1000x256xf32, #tpu.memory_space<vmem>>, vector<1000x256xf32>
    %add3A_17 = arith.addf %add3A, %get3A_16 : vector<1000x256xf32>
    %swap3A = arith.constant 0 : index
    %swap3A_18 = arith.constant 0 : index
    %swap3A_19 = vector.load %arg6[%swap3A, %swap3A_18] : memref<1000x256xf32, #tpu.memory_space<vmem>>, vector<1000x256xf32>
    tpu.vector_store %arg6[%swap3A, %swap3A_18], %add3A_17 {strides = array<i32>} : memref<1000x256xf32, #tpu.memory_space<vmem>>, vector<1000x256xf32>,
    return
  }
  func.func @transform_0(%arg0: i32) -> (i32, i32) {
    %c0_i32 = arith.constant 0 : i32
    %c0_i32_0 = arith.constant 0 : i32
    return %arg0, %c0_i32 : i32, i32
  }
  func.func @transform_1(%arg0: i32) -> (i32, i32) {
    %c0_i32 = arith.constant 0 : i32
    %c0_i32_0 = arith.constant 0 : i32
    return %arg0, %c0_i32 : i32, i32
  }
  func.func @transform_2(%arg0: i32) -> (i32, i32) {
    %c0_i32 = arith.constant 0 : i32
    %c0_i32_0 = arith.constant 0 : i32
    return %arg0, %c0_i32 : i32, i32
  }
  func.func @transform_3(%arg0: i32) -> (i32, i32) {
    %c0_i32 = arith.constant 0 : i32
    %c0_i32_0 = arith.constant 0 : i32
    %c0_i32_1 = arith.constant 0 : i32
    return %c0_i32, %c0_i32_0 : i32, i32
  }
  func.func @transform_4(%arg0: i32) -> (i32, i32) {
    %c0_i32 = arith.constant 0 : i32
    %c0_i32_0 = arith.constant 0 : i32
    %c0_i32_1 = arith.constant 0 : i32
    return %c0_i32, %c0_i32_0 : i32, i32
  }
  func.func @transform_5(%arg0: i32) -> (i32, i32) {
    %c0_i32 = arith.constant 0 : i32
    %c0_i32_0 = arith.constant 0 : i32
    return %arg0, %c0_i32 : i32, i32
  }
}

</mosaic_0001>

<sc_bundles>
// kernel: kernel.5.cloned.1.call-start
scs
__scs_entry_jumppad:
0x0: {  	(pc) =	sbr.rel $0x88, $3  }
0x1: {  	(tag) =	ssettag $0x0;
	lr =	simm.s32 $0x1  }
0x2: {  	[smem:$0x3F9C] =	sst lr;
	_ =	strace $0xD0000000  }
0x3: {  	_ = 	snop  }
0x4: {  	_ = 	snop  }
0x5: {  	_ = 	snop  }
0x6: {  	_ = 	snop  }
0x7: {  	_ = 	snop  }
__scs_overlays_trampoline_lowered:
0x8: {  	[smem:$0x3FAB] =	sst s0  }
0x9: {  	[smem:$0x3FAC] =	sst s1  }
0xa: {  	[smem:$0x3FAD] =	sst s2  }
0xb: {  	[smem:$0x3FAE] =	sst s3  }
0xc: {  	[smem:$0x3FAF] =	sst s4  }
0xd: {  	[smem:$0x3FB0] =	sst s5  }
0xe: {  	[smem:$0x3FB1] =	sst s6  }
0xf: {  	[smem:$0x3FB2] =	sst s7  }
0x10: {  	[smem:$0x3FB3] =	sst s8  }
0x11: {  	[smem:$0x3FB4] =	sst s9;
	s0 =	simm.s32 @!p0 $0x0  }
0x12: {  	s1 =	sld [smem:$0x3F9A];
	s0 =	simm.s32 @p0 $0x1  }
0x13: {  	[smem:$0x3FB5] =	sst s0;
	s0 =	simm.s32 @!p1 $0x0  }
0x14: {  	s2 =	sld [smem:$0x3F99];
	s0 =	simm.s32 @p1 $0x1  }
0x15: {  	[smem:$0x3FB6] =	sst s0;
	s0 =	simm.s32 @!p2 $0x0  }
0x16: {  	s3 =	sld [smem:$0x3FDB];
	s0 =	simm.s32 @p2 $0x1  }
0x17: {  	s4 =	simm.s32 $0x1BF5;
	[smem:$0x3FB8] =	sst s0  }
0x18: {  	s0 =	sld [smem:$0x3F9B];
	_ =	swait.ge [sflag:s4], $0x0  }
0x19: {  	s7 =	sld [smem:$0x3F9C]  }
0x1a: {  	s8 =	sadd.s32 $0xFFFFE003, lr  }
0x1b: {  	s9 =	sadd.s32 $0xFFFFFEF7, lr;
	s5 =	simm.s32 $0xFFFFFFFF;
	p2 =	slt.u32 s8, $0xFFFFF086  }
0x1c: {  	p1 =	slt.u32 s9, $0xF7A;
	s5 =	simm.s32 @!p2 $0x0  }
0x1d: {  	s5 =	simm.s32 @p1 $0x1;
	p0 =	seq.s32 s7, s2  }
0x1e: {  	s7 =	smul.u32 @!p0 $0xF7A, s2;
	p2 =	seq.s32 @!p0 s5, $0x0  }
0x1f: {  	s9 =	smul.u32 $0xF7A, s1;
	s8 =	simm.s32 @!p0 $0x1BF5;
	p2 =	por !p2, p0  }
0x20: {  	[sflag:s8] =	ssyncset.s32 @!p0 $0xFFFFF086;
	s6 =	sadd.s32 @!p0 s3, s7;
	s7 =	simm.s32 @!p0 $0x108  }
0x21: {  	s3 =	sadd.s32 s3, s9;
	s6 =	sadd.s32 @!p0 $0x88, s6;
	s7 =	simm.s32 @p2 $0x1082  }
0x22: {  	[simem:s7], [sflag:s8] =	dma.local @!p0 [hbm:s6], $0xF7A  }
0x23: {  	s9 =	sor.u32 $0xD0000000, s2;
	s6 =	simm.s32 $0x108;
	_ =	swait.ge @!p0 [sflag:s8], $0x0  }
0x24: {  	s3 =	sadd.s32 $0x88, s3;
	s6 =	simm.s32 @!p1 $0x1082;
	[sflag:s4] =	ssyncset.s32 $0xFFFFF086  }
0x25: {  	[simem:s6], [sflag:s4] =	dma.local [hbm:s3], $0xF7A  }
0x26: {  	[smem:$0x3F9C] =	sst s1;
	(tag) =	ssettag s2;
	_ =	strace s9  }
0x27: {  	s1 =	sld [smem:$0x3FAC]  }
0x28: {  	s2 =	sld [smem:$0x3FAD]  }
0x29: {  	s4 =	sld [smem:$0x3FAF]  }
0x2a: {  	p0 =	seq.s32 s5, $0x0;
	s5 =	sld [smem:$0x3FB0]  }
0x2b: {  	s6 =	sld [smem:$0x3FB1]  }
0x2c: {  	s7 =	sld [smem:$0x3FB2]  }
0x2d: {  	s3 =	simm.s32 $0x108;
	s8 =	sld [smem:$0x3FB3]  }
0x2e: {  	s3 =	simm.s32 @!p0 $0x1082;
	s9 =	sld [smem:$0x3FB4]  }
0x2f: {  	lr =	sadd.s32 s0, s3;
	s0 =	sld [smem:$0x3FAB]  }
0x30: {  	s3 =	sld [smem:$0x3FAE]  }
0x31: {  	[smem:$0x3FB7] =	sst s10  }
0x32: {  	s10 =	sld [smem:$0x3FB5];
	_ =	sdelay $0x3  }
0x33: {  	p0 =	seq.s32 s10, $0x1;
	s10 =	sld [smem:$0x3FB7];
	_ =	sdelay $0x3  }
0x34: {  	[smem:$0x3FB7] =	sst s10  }
0x35: {  	s10 =	sld [smem:$0x3FB6];
	_ =	sdelay $0x3  }
0x36: {  	p1 =	seq.s32 s10, $0x1;
	s10 =	sld [smem:$0x3FB7];
	_ =	sdelay $0x3  }
0x37: {  	[smem:$0x3FB7] =	sst s10  }
0x38: {  	s10 =	sld [smem:$0x3FB8]  }
0x39: {  	_ = 	snop;
	(pc) =	sbr.ind lr, $3  }
0x3a: {  	_ = 	snop  }
0x3b: {  	_ = 	snop  }
0x3c: {  	p2 =	seq.s32 s10, $0x1;
	s10 =	sld [smem:$0x3FB7]  }
0x3d: {  	_ =	shalt  }
0x3e: {  	_ =	shalt  }
0x3f: {  	_ =	shalt  }
0x40: {  	_ =	shalt  }
0x41: {  	_ =	shalt  }
0x42: {  	_ =	shalt  }
0x43: {  	_ =	shalt  }
0x44: {  	_ =	shalt  }
0x45: {  	_ =	shalt  }
0x46: {  	_ =	shalt  }
0x47: {  	_ =	shalt  }
0x48: {  	_ =	shalt  }
0x49: {  	_ =	shalt  }
0x4a: {  	_ =	shalt  }
0x4b: {  	_ =	shalt  }
0x4c: {  	_ =	shalt  }
0x4d: {  	_ =	shalt  }
0x4e: {  	_ =	shalt  }
0x4f: {  	_ =	shalt  }
0x50: {  	_ =	shalt  }
0x51: {  	_ =	shalt  }
0x52: {  	_ =	shalt  }
0x53: {  	_ =	shalt  }
0x54: {  	_ =	shalt  }
0x55: {  	_ =	shalt  }
0x56: {  	_ =	shalt  }
0x57: {  	_ =	shalt  }
0x58: {  	_ =	shalt  }
0x59: {  	_ =	shalt  }
0x5a: {  	_ =	shalt  }
0x5b: {  	_ =	shalt  }
0x5c: {  	_ =	shalt  }
0x5d: {  	_ =	shalt  }
0x5e: {  	_ =	shalt  }
0x5f: {  	_ =	shalt  }
0x60: {  	_ =	shalt  }
0x61: {  	_ =	shalt  }
0x62: {  	_ =	shalt  }
0x63: {  	_ =	shalt  }
0x64: {  	_ =	shalt  }
0x65: {  	_ =	shalt  }
0x66: {  	_ =	shalt  }
0x67: {  	_ =	shalt  }
0x68: {  	_ =	shalt  }
0x69: {  	_ =	shalt  }
0x6a: {  	_ =	shalt  }
0x6b: {  	_ =	shalt  }
0x6c: {  	_ =	shalt  }
0x6d: {  	_ =	shalt  }
0x6e: {  	_ =	shalt  }
0x6f: {  	_ =	shalt  }
0x70: {  	_ =	shalt  }
0x71: {  	_ =	shalt  }
0x72: {  	_ =	shalt  }
0x73: {  	_ =	shalt  }
0x74: {  	_ =	shalt  }
0x75: {  	_ =	shalt  }
0x76: {  	_ =	shalt  }
0x77: {  	_ =	shalt  }
0x78: {  	_ =	shalt  }
0x79: {  	_ =	shalt  }
0x7a: {  	_ =	shalt  }
0x7b: {  	_ =	shalt  }
0x7c: {  	_ =	shalt  }
0x7d: {  	_ =	shalt  }
0x7e: {  	_ =	shalt  }
0x7f: {  	_ =	shalt  }
0x80: {  	_ =	shalt  }
0x81: {  	_ =	shalt  }
0x82: {  	_ =	shalt  }
0x83: {  	_ =	shalt  }
0x84: {  	_ =	shalt  }
0x85: {  	_ =	shalt  }
0x86: {  	_ =	shalt  }
0x87: {  	_ =	shalt  }
.Lfunc_end0:
.L_simem_size_0:
called_computation_lowered:
.L_overlay_start_0:
0x88: {  	s2 =	sld [smem:$0x3FD9]  }
0x89: {  	s3 =	sld [smem:$0x3FFE];
	_ =	sdelay $0x1  }
0x8a: {  	s1 =	srdreg.scid  }
0x8b: {  	s0 =	sand.u32 $0x1, s1  }
0x8c: {  	s17 =	sshll.u32 s0, $0xA;
	s2 =	sadd.s32 s3, s2  }
0x8d: {  	s2 =	sadd.s32 s2, s17  }
0x8e: {  	[smem:$0x3FC3] =	sst s2  }
0x8f: {  	_ = 	snop  }
0x90: {  	s2 =	sld [smem:$0x3FD0];
	(tm) =	ssettm $0x1  }
0x91: {  	s18 =	sld [smem:$0x3FFB];
	_ =	sdelay $0x3  }
0x92: {  	_ =	strace s18  }
0x93: {  	s3 =	sld [smem:$0x3FFC];
	_ =	sdelay $0x3  }
0x94: {  	_ =	strace s3  }
0x95: {  	s3 =	sld [smem:$0x3FFD];
	_ =	sdelay $0x3  }
0x96: {  	_ =	strace s3  }
0x97: {  	_ =	strace $0x8FFFFFFF  }
0x98: {  	s19 =	sld [smem:$0x3FDB];
	_ =	sdelay $0x1  }
0x99: {  	s4 =	simm.s32 $_scs_section_size  }
0x9a: {  	s5 =	simm.s32 $_size__tile_overlayer_lowered;
	s6 =	simm.s32 $_tile_overlayer_lowered  }
0x9b: {  	s22 =	simm.s32 $0x1BFF;
	s21 =	sshll.u32 s6, $0x1;
	s3 =	sadd.s32 s4, s19  }
0x9c: {  	s7 =	simm.s32 $0x0;
	s20 =	sshll.u32 s5, $0x1;
	s5 =	sadd.s32 s21, s3  }
0x9d: {  	[timem:s7], [sflag:s22] =	dma.local [hbm:s5], s20  }
0x9e: {  	_ =	swait.ge [sflag:s22], s20  }
0x9f: {  	s4 =	ssub.s32 $0x0, s20;
	[sflag:s22] =	ssyncset.done $0x0  }
0xa0: {  	[sflag:s22] =	ssyncadd.s32 s4;
	_ =	sdelay $0x1  }
0xa1: {  	s23 =	simm.s32 $0x1B8B  }
0xa2: {  	_ =	swait.ge [sflag:s23], $0x1  }
0xa3: {  	[sflag:s23] =	ssyncset.done $0x0  }
0xa4: {  	s25 =	simm.s32 $0x1B8E;
	s24 =	sld [smem:$0x3FFE];
	[sflag:s23] =	ssyncadd.s32 $0xFFFFFFFF  }
0xa5: {  	s26 =	simm.s32 $execute0_lowered;
	[smem:$0x3FD2] =	sst s25  }
0xa6: {  	s5 =	sshll.u32 s26, $0x1;
	_ =	strace $0x80000046;
	[dreg:$0x1] =	wrdreg $0xFFFFFFFF  }
0xa7: {  	s28 =	simm.s32 $_size_execute0_lowered;
	s3 =	sadd.s32 s3, s5;
	[dreg:$0x0] =	wrdreg $0x0  }
0xa8: {  	s5 =	sshll.u32 s28, $0x1;
	[dreg:$0x2] =	wrdreg s3  }
0xa9: {  	[dreg:$0x3] =	wrdreg s5  }
0xaa: {  	[dreg:$0x4] =	wrdreg $0xC0  }
0xab: {  	_ =	task [dreg:s7], $0x5FFFF  }
0xac: {  	[dreg:$0x1] =	wrdreg $0xFFFFFFFF  }
0xad: {  	[dreg:$0x0] =	wrdreg $0x60  }
0xae: {  	[dreg:$0x2] =	wrdreg s2  }
0xaf: {  	[dreg:$0x3] =	wrdreg s24  }
0xb0: {  	[dreg:$0x4] =	wrdreg $0x0  }
0xb1: {  	[dreg:$0x5] =	wrdreg $0x9  }
0xb2: {  	_ =	task.clear_ibuf [dreg:s7], $0x6FFFF;
	_ =	strace $0x90000046  }
0xb3: {  	s29 =	simm.s32 $0x9;
	_ =	strace $0x80000048  }
0xb4: {  	_ =	swait.ge [sflag:s29], $0x1  }
0xb5: {  	[sflag:s29] =	ssyncadd.s32 $0xFFFFFFFF  }
0xb6: {  	_ =	strace $0x90000048  }
0xb7: {  	_ =	sfence  }
0xb8: {  	s30 =	sld [smem:$0x0];
	_ =	sdelay $0x2  }
0xb9: {  	s31 =	sshll.u32 s1, $0xD;
	s1 =	sshrl.u32 s1, $0x2  }
0xba: {  	s3 =	sand.u32 $0x4000, s31;
	s1 =	sadd.s32 s1, s30  }
0xbb: {  	s0 =	sor.u32 s3, s0;
	s1 =	sshll.u32 s1, $0x11  }
0xbc: {  	s0 =	sor.u32 s1, s0  }
0xbd: {  	s0 =	sadd.s32 $0x8F2B, s0  }
0xbe: {  	[sflag:s0] =	ssyncadd.remote.s32 $0x1  }
0xbf: {  	_ =	sfence.sel $0xFFFF  }
0xc0: {  	[dreg:$0x0] =	wrdreg $0xFFFFFFFF;
	(pc) =	sbr.abs _section_cstart, $3  }
0xc1: {  	[dreg:$0x1] =	wrdreg $0xFFFFFFFF  }
0xc2: {  	_ =	task.clear_ibuf [dreg:s7], $0x2FFFF;
	_ =	strace $0x9FFFFFFF  }
0xc3: {  	(tm) =	ssettm $0x7FFFFFFF  }
tec
execute0_lowered:
.L_overlay_start_1:
0x0: {  	(tag) =	ssettag $0x1  }
0x1: {  	s2 =	srdreg.scid;
	s1 =	rddreg [dreg:$0x0]  }
0x2: {  	s0 =	stileid.u32;
	s9 =	rddreg [dreg:$0x1]  }
0x3: {  	s3 =	rddreg [dreg:$0x2];
	s4 =	simm.s32 $0x0;
	s13 =	simm.s32 $0x3D200  }
0x4: {  	s15 =	simm.s32 $0x13C00;
	s16 =	simm.s32 $0x16380;
	s17 =	simm.s32 $0x50  }
0x5: {  	s18 =	simm.s32 $0x1A380;
	s19 =	simm.s32 $0x1CB80;
	s20 =	simm.s32 $0x1  }
0x6: {  	s21 =	simm.s32 $0x2;
	s22 =	simm.s32 $0x1A180;
	s6 =	sand.u32 $0x1, s2  }
0x7: {  	s23 =	sshrl.u32 s0, $0x3;
	s2 =	rddreg [dreg:$0x3];
	s25 =	smul.u32 $0x4F000, s0  }
0x8: {  	s8 =	sshll.u32 s0, $0x7;
	[smem:$0x7FF] =	sst s4;
	s14 =	smul.u32 $0x2780, s0  }
0x9: {  	s28 =	sshll.u32 s0, $0xB;
	s30 =	sshll.u32 s0, $0x6;
	s5 =	smul.u32 $0x27800, s6  }
0xa: {  	s7 =	smul.u32 $0x13C00, s23;
	s24 =	sand.u32 $0x380, s8;
	_ =	strace $0x80000047  }
0xb: {  	s10 =	ssub.s32 $0x2, s6;
	s11 =	sadd.s32 s28, s9;
	p0 =	seq.s32 s6, $0x1  }
0xc: {  	s6 =	sor.u32 $0x1C03, s30;
	s23 =	simm.s32 $0x0;
	s12 =	sshrl.u32 s10, $0x1  }
0xd: {  	s13 =	simm.s32 @!p0 $0x15A00;
	s8 =	sadd.s32 $0x1400, s11;
	s5 =	sadd.s32 s5, s7  }
0xe: {  	s7 =	sshrl.u32 s25, $0x2;
	s10 =	ssub.s32 s10, s12;
	s31 =	sadd.s32 s13, s9  }
0xf: {  	s12 =	simm.s32 $0x3;
	s5 =	sor.u32 s24, s5;
	s29 =	sadd.s32 s7, s3  }
0x10: {  	s13 =	simm.s32 $0x80;
	s5 =	sshrl.u32 s5, $0x3;
	s11 =	sshrl.u32 s29, $0x3  }
0x11: {  	s26 =	sadd.s32 s5, s9;
	s5 =	sadd.s32 $0x13200, s9;
	s9 =	smax.u32 s10, $0x1  }
0x12: {  	s10 =	sadd.s32 s31, s14;
	s14 =	simm.s32 $0x400;
	s7 =	sadd.s32 $0x9400, s26  }
.LBB2_1:
0x13: {  	[spmem:s11], [sflag:s6] =	dma.local [hbm:s5], $0x2780  }
0x14: {  	_ =	swait.ge [sflag:s12], $0x2780  }
0x15: {  	[sflag:s12] =	ssyncset.done $0x0  }
0x16: {  	[sflag:s12] =	ssyncadd.s32 $0xFFFFD880  }
0x17: {  	[tilespmem:s15], [sflag:$0x3] =	stream.strided.gather [hbm4b:s7+s13], $0x2780, s14, s13, $0x38;
	[tilespmem:$0x1F380] =	vst v63  }
0x18: {  	_ =	swait.ge [sflag:s12], $0x2780  }
0x19: {  	[sflag:s12] =	ssyncset.done $0x0  }
0x1a: {  	[sflag:s12] =	ssyncadd.s32 $0xFFFFD880  }
0x1b: {  	[tilespmem:s16], [sflag:$0x3] =	stream.linear.gather [hbm4b:s8+s4], $0x3E80, $0x38;
	[tilespmem:$0x1F380] =	vst v63  }
0x1c: {  	_ =	swait.ge [sflag:s12], $0x3E80  }
0x1d: {  	[sflag:s12] =	ssyncset.done $0x0  }
0x1e: {  	[sflag:s12] =	ssyncadd.s32 $0xFFFFC180  }
0x1f: {  	[bflag:$0x0] =	sbarrier.arrive $0xFFFF  }
0x20: {  	[tilespmem:s18], [sflag:$0x1] =	stream.indirect.gather [hbm4b:s1+s17], $0x80, s15, s17, $0xb8;
	[tilespmem:$0x1F380] =	vst v63  }
0x21: {  	s24 =	simm.s32 $0x13C50  }
0x22: {  	[tilespmem:s19], [sflag:$0x2] =	stream.indirect.gather [hbm4b:s1+s17], $0x80, s24, s17, $0xb8;
	[tilespmem:$0x1F380] =	vst v63  }
0x23: {  	_ =	swait.ge [sflag:s20], $0x2800  }
0x24: {  	[sflag:s20] =	ssyncset.done $0x0  }
0x25: {  	s29 =	simm.s32 $0x16380;
	[sflag:s20] =	ssyncadd.s32 $0xFFFFD800  }
0x26: {  	[spmem:s3] =	stream.indirect.scatter.add.f32 [tilespmem:s18], [sflag:$0x3], $0x80, s29, s17, $0xb8;
	[tilespmem:$0x1F380] =	vst v63  }
0x27: {  	_ =	swait.ge [sflag:s12], $0x2800  }
0x28: {  	[sflag:s12] =	ssyncset.done $0x0  }
0x29: {  	s30 =	simm.s32 $0x13CA0;
	[sflag:s12] =	ssyncadd.s32 $0xFFFFD800  }
0x2a: {  	[tilespmem:s18], [sflag:$0x1] =	stream.indirect.gather [hbm4b:s1+s17], $0x80, s30, s17, $0xb8;
	[tilespmem:$0x1F380] =	vst v63  }
0x2b: {  	_ =	swait.ge [sflag:s21], $0x2800  }
0x2c: {  	[sflag:s21] =	ssyncset.done $0x0  }
0x2d: {  	s31 =	simm.s32 $0x16400;
	[sflag:s21] =	ssyncadd.s32 $0xFFFFD800  }
0x2e: {  	[spmem:s3] =	stream.indirect.scatter.add.f32 [tilespmem:s19], [sflag:$0x3], $0x80, s31, s17, $0xb8;
	[tilespmem:$0x1F380] =	vst v63  }
0x2f: {  	s25 =	simm.s32 $0x400;
	_ =	swait.ge [sflag:s12], $0x2800  }
0x30: {  	s26 =	simm.s32 $0x800;
	s24 =	simm.s32 $0x13D40;
	[sflag:s12] =	ssyncset.done $0x0  }
.LBB2_2:
0x31: {  	p0 =	sne.s32 s26, $0xF400;
	s28 =	sadd.s32 $0xFFFFFFB0, s24;
	[sflag:s12] =	ssyncadd.s32 $0xFFFFD800  }
0x32: {  	[tilespmem:s19], [sflag:$0x2] =	stream.indirect.gather [hbm4b:s1+s17], $0x80, s28, s17, $0xb8;
	[tilespmem:$0x1F380] =	vst v63  }
0x33: {  	s28 =	smov.u32 s26;
	s26 =	sadd.s32 $0x400, s26;
	_ =	swait.ge [sflag:s20], $0x2800  }
0x34: {  	s29 =	sshra.s32 s25, $0x2;
	s25 =	smov.u32 s28;
	[sflag:s20] =	ssyncset.done $0x0  }
0x35: {  	s28 =	sadd.s32 $0x16380, s29;
	[sflag:s20] =	ssyncadd.s32 $0xFFFFD800  }
0x36: {  	[spmem:s3] =	stream.indirect.scatter.add.f32 [tilespmem:s18], [sflag:$0x3], $0x80, s28, s17, $0xb8;
	[tilespmem:$0x1F380] =	vst v63  }
0x37: {  	_ =	swait.ge [sflag:s12], $0x2800  }
0x38: {  	[sflag:s12] =	ssyncset.done $0x0  }
0x39: {  	[sflag:s12] =	ssyncadd.s32 $0xFFFFD800  }
0x3a: {  	[tilespmem:s18], [sflag:$0x1] =	stream.indirect.gather [hbm4b:s1+s17], $0x80, s24, s17, $0xb8;
	[tilespmem:$0x1F380] =	vst v63  }
0x3b: {  	_ =	swait.ge [sflag:s21], $0x2800  }
.Ltmp0:
0x3c: {  	[sflag:s21] =	ssyncset.done $0x0;
	(pc) =	sbr.rel @p0 .LBB2_2-.Ltmp0, $4  }
0x3d: {  	s28 =	sadd.s32 $0x16400, s29;
	[sflag:s21] =	ssyncadd.s32 $0xFFFFD800  }
0x3e: {  	[spmem:s3] =	stream.indirect.scatter.add.f32 [tilespmem:s19], [sflag:$0x3], $0x80, s28, s17, $0xb8;
	[tilespmem:$0x1F380] =	vst v63  }
0x3f: {  	_ =	swait.ge [sflag:s12], $0x2800  }
0x40: {  	s24 =	sadd.s32 $0xA0, s24;
	[sflag:s12] =	ssyncset.done $0x0  }
0x41: {  	s26 =	sadd.s32 $0xFFFFFFB0, s24;
	[sflag:s12] =	ssyncadd.s32 $0xFFFFD800  }
0x42: {  	[tilespmem:s19], [sflag:$0x2] =	stream.indirect.gather [hbm4b:s1+s17], $0x80, s26, s17, $0xb8;
	[tilespmem:$0x1F380] =	vst v63  }
0x43: {  	_ =	swait.ge [sflag:s20], $0x2800  }
0x44: {  	s25 =	sshra.s32 s25, $0x2;
	[sflag:s20] =	ssyncset.done $0x0  }
0x45: {  	s30 =	sadd.s32 $0x16380, s25;
	[sflag:s20] =	ssyncadd.s32 $0xFFFFD800  }
0x46: {  	[spmem:s3] =	stream.indirect.scatter.add.f32 [tilespmem:s18], [sflag:$0x3], $0x80, s30, s17, $0xb8;
	[tilespmem:$0x1F380] =	vst v63  }
0x47: {  	_ =	swait.ge [sflag:s12], $0x2800  }
0x48: {  	[sflag:s12] =	ssyncset.done $0x0  }
0x49: {  	[sflag:s12] =	ssyncadd.s32 $0xFFFFD800  }
0x4a: {  	[tilespmem:s18], [sflag:$0x1] =	stream.indirect.gather [hbm4b:s1+s17], $0x80, s24, s17, $0xb8;
	[tilespmem:$0x1F380] =	vst v63  }
0x4b: {  	_ =	swait.ge [sflag:s21], $0x2800  }
0x4c: {  	[sflag:s21] =	ssyncset.done $0x0  }
0x4d: {  	s31 =	sadd.s32 $0x16400, s25;
	[sflag:s21] =	ssyncadd.s32 $0xFFFFD800  }
0x4e: {  	[spmem:s3] =	stream.indirect.scatter.add.f32 [tilespmem:s19], [sflag:$0x3], $0x80, s31, s17, $0xb8;
	[tilespmem:$0x1F380] =	vst v63  }
0x4f: {  	_ =	swait.ge [sflag:s12], $0x2800  }
0x50: {  	[sflag:s12] =	ssyncset.done $0x0  }
0x51: {  	[sflag:s12] =	ssyncadd.s32 $0xFFFFD800  }
0x52: {  	_ =	swait.ge [sflag:s20], $0x2800  }
0x53: {  	[sflag:s20] =	ssyncset.done $0x0  }
0x54: {  	[sflag:s20] =	ssyncadd.s32 $0xFFFFD800  }
0x55: {  	[spmem:s3] =	stream.indirect.scatter.add.f32 [tilespmem:s18], [sflag:$0x3], $0x80, s22, s17, $0xb8;
	[tilespmem:$0x1F380] =	vst v63  }
0x56: {  	_ =	swait.ge [sflag:s12], $0x2800  }
0x57: {  	s23 =	sadd.s32 $0x1, s23;
	[sflag:s12] =	ssyncset.done $0x0  }
0x58: {  	p0 =	sne.s32 s23, s9;
	[sflag:s12] =	ssyncadd.s32 $0xFFFFD800  }
.Ltmp1:
0x59: {  	[bflag:$0x0] =	sbarrier.arrive $0xFFFF;
	(pc) =	sbr.rel @p0 .LBB2_1-.Ltmp1, $4  }
0x5a: {  	[hbm:s10], [sflag:s6] =	dma.local [spmem:s11], $0x2780  }
0x5b: {  	_ =	swait.ge [sflag:s12], $0x2780  }
0x5c: {  	[sflag:s12] =	ssyncset.done $0x0  }
0x5d: {  	[sflag:s12] =	ssyncadd.s32 $0xFFFFD880  }
0x5e: {  	_ =	sfence.sel $0x180000  }
0x5f: {  	[bflag:$0x0] =	sbarrier.arrive $0xFFFF  }
0x60: {  	p0 =	sne.s32 s0, $0x0;
	_ =	strace $0x90000047  }
0x61: {  	s0 =	sadd.s32 @!p0 $0x100000, s2;
	[bflag:$0x2] =	sbarrier.arrive $0xFFFF  }
0x62: {  	[sflag:s0] =	ssyncadd.tile.s32 @!p0 $0x1;
	_ =	shalt  }
.Lfunc_end2:
_tile_overlayer_lowered:
.L_overlay_start_2:
0x63: {  	(tag) =	ssettag $0x2  }
0x64: {  	s0 =	rddreg [dreg:$0x0];
	s2 =	stileid.u32  }
0x65: {  	s1 =	rddreg [dreg:$0x1];
	p0 =	sne.s32 s2, $0x0  }
0x66: {  	s3 =	rddreg [dreg:$0x2];
	[bflag:$0x3] =	sbarrier.arrive $0xFFFF;
	s2 =	simm.s32 @!p0 $0x1C03  }
0x67: {  	[timem:s3], [sflag:s2] =	dma.local @!p0 [hbm:s0], s1  }
0x68: {  	s0 =	simm.s32 @!p0 $0x3  }
0x69: {  	_ =	swait.ge @!p0 [sflag:s0], s1  }
0x6a: {  	s1 =	ssub.s32 @!p0 $0x0, s1;
	[sflag:s0] =	ssyncset.done @!p0 $0x0  }
0x6b: {  	[sflag:s0] =	ssyncadd.s32 @!p0 s1  }
0x6c: {  	[bflag:$0x3] =	sbarrier.arrive $0xFFFF  }
0x6d: {  	_ =	shalt  }

</sc_bundles>
